<compile_context>
chip_gen: v7x
topology: tpu7x:2x2x1
jax: 0.10.2.dev20260603
libtpu: 0.0.44.dev20260713+nightly
codegen_flags: <defaults>
</compile_context>

<pallas_src>
import functools

import jax
import jax.numpy as jnp
from jax import lax
from jax.experimental import pallas as pl
from jax.experimental.pallas import tpu as pltpu
from jax.experimental.pallas import tpu_sc as plsc

B = 16384
F = 64
NC = 2
NS = 16
L = 16
NW = NC * NS
BPW = B // NW
GROUPS = BPW // L
FCH = F // L

_mesh = plsc.VectorSubcoreMesh(core_axis_name="c", subcore_axis_name="s")


@functools.partial(
    pl.kernel,
    mesh=_mesh,
    out_type=jax.ShapeDtypeStruct((B,), jnp.float32),
    compiler_params=pltpu.CompilerParams(
        needs_layout_passes=False, use_tc_tiling_on_sc=False),
    scratch_types=[
        pltpu.VMEM((BPW,), jnp.int32),
        pltpu.VMEM((BPW,), jnp.int32),
        pltpu.VMEM((BPW, F), jnp.float32),
        pltpu.VMEM((BPW, F), jnp.float32),
        pltpu.VMEM((BPW,), jnp.float32),
        pltpu.VMEM((BPW,), jnp.float32),
        pltpu.VMEM((BPW,), jnp.float32),
        pltpu.SemaphoreType.DMA,
        pltpu.SemaphoreType.DMA,
        pltpu.SemaphoreType.DMA,
        pltpu.SemaphoreType.DMA,
    ],
)
def _sc_fm(users_hbm, items_hbm, ue_hbm, ie_hbm, ub_hbm, ib_hbm, out_hbm,
           uidx_v, iidx_v, urows_v, irows_v, ubias_v, ibias_v, res_v,
           sem_u, sem_i, sem_ub, sem_ib):
    wid = lax.axis_index("s") * NC + lax.axis_index("c")
    base = wid * BPW

    pltpu.sync_copy(users_hbm.at[pl.ds(base, BPW)], uidx_v)
    pltpu.sync_copy(items_hbm.at[pl.ds(base, BPW)], iidx_v)

    cu = pltpu.async_copy(ue_hbm.at[uidx_v], urows_v, sem_u)
    ci = pltpu.async_copy(ie_hbm.at[iidx_v], irows_v, sem_i)
    cub = pltpu.async_copy(ub_hbm.at[uidx_v], ubias_v, sem_ub)
    cib = pltpu.async_copy(ib_hbm.at[iidx_v], ibias_v, sem_ib)
    cu.wait()
    ci.wait()
    cub.wait()
    cib.wait()

    lane = lax.iota(jnp.int32, L)

    def group(g, carry):
        def ex(j, acc):
            e = g * L + j
            p = jnp.zeros((L,), jnp.float32)
            for f in range(FCH):
                u = urows_v[e, pl.ds(f * L, L)]
                w = irows_v[e, pl.ds(f * L, L)]
                p = p + u * w
            s = jnp.sum(p)
            return jnp.where(lane == j, s, acc)

        acc = lax.fori_loop(0, L, ex, jnp.zeros((L,), jnp.float32))
        sl = pl.ds(g * L, L)
        res_v[sl] = acc + ubias_v[sl] + ibias_v[sl]
        return carry

    lax.fori_loop(0, GROUPS, group, 0)

    pltpu.sync_copy(res_v, out_hbm.at[pl.ds(base, BPW)])


def kernel(users, items, user_embeddings, item_embeddings, user_biases,
           item_biases):
    preds = _sc_fm(users, items, user_embeddings, item_embeddings,
                   user_biases.reshape(-1), item_biases.reshape(-1))
    return preds.reshape(B, 1)

# --- scband reference (transcript-rebuilt; emitter-appended) ---
"""Pipeline reference for scband-base-module-11922829214047 (READ-ONLY COPY).

The authoritative reference and input builder live on the scoring server;
editing this copy changes nothing except your own understanding.
"""

import jax, jax.numpy as jnp
import numpy as np

N_USERS = 1000000
N_ITEMS = 100000
N_FACTORS = 64
BATCH = 16384


def setup_inputs(seed: int = 0) -> dict:
    key = jax.random.key(seed)
    k1, k2, k3, k4, k5, k6 = jax.random.split(key, 6)
    users = jax.random.randint(k1, (BATCH,), 0, N_USERS, dtype=jnp.int64 if jax.config.jax_enable_x64 else jnp.int32).astype(jnp.int32)
    items = jax.random.randint(k2, (BATCH,), 0, N_ITEMS, dtype=jnp.int64 if jax.config.jax_enable_x64 else jnp.int32).astype(jnp.int32)
    user_embeddings = jax.random.normal(k3, (N_USERS, N_FACTORS), dtype=jnp.float32) * 0.1
    item_embeddings = jax.random.normal(k4, (N_ITEMS, N_FACTORS), dtype=jnp.float32) * 0.1
    user_biases = jax.random.normal(k5, (N_USERS, 1), dtype=jnp.float32) * 0.1
    item_biases = jax.random.normal(k6, (N_ITEMS, 1), dtype=jnp.float32) * 0.1
    return {
        "users": users,
        "items": items,
        "user_embeddings": user_embeddings,
        "item_embeddings": item_embeddings,
        "user_biases": user_biases,
        "item_biases": item_biases,
    }


def reference(users, items, user_embeddings, item_embeddings, user_biases, item_biases):
    # Faithful translation of BaseModule.forward (dropout_p=0 -> identity dropout):
    # preds = user_bias + item_bias + (user_emb * item_emb).sum(dim=1)
    ues = jnp.take(user_embeddings, users, axis=0)   # [B, F]
    uis = jnp.take(item_embeddings, items, axis=0)   # [B, F]
    preds = jnp.take(user_biases, users, axis=0)     # [B, 1]
    preds = preds + jnp.take(item_biases, items, axis=0)  # [B, 1]
    preds = preds + jnp.sum(ues * uis, axis=1, keepdims=True)  # [B, 1]
    return preds

if __name__ == "__main__":
    import jax
    _d = setup_inputs()
    print(jax.jit(kernel)(*tuple(_d.values())))

</pallas_src>

<mosaic_0001>
#map = affine_map<(d0, d1) -> (0)>
#map1 = affine_map<(d0, d1) -> (0, 0)>
module attributes {stable_mosaic.version = 14 : i64} {
  func.func @_sc_fm(%arg0: i32, %arg1: i32, %arg2: memref<16384xi32, #tpu.memory_space<hbm>>, %arg3: memref<16384xi32, #tpu.memory_space<hbm>>, %arg4: memref<1000000x64xf32, #tpu.memory_space<hbm>>, %arg5: memref<100000x64xf32, #tpu.memory_space<hbm>>, %arg6: memref<1000000xf32, #tpu.memory_space<hbm>>, %arg7: memref<100000xf32, #tpu.memory_space<hbm>>, %arg8: memref<16384xf32, #tpu.memory_space<hbm>>, %arg9: memref<512xi32, #tpu.memory_space<vmem>>, %arg10: memref<512xi32, #tpu.memory_space<vmem>>, %arg11: memref<512x64xf32, #tpu.memory_space<vmem>>, %arg12: memref<512x64xf32, #tpu.memory_space<vmem>>, %arg13: memref<512xf32, #tpu.memory_space<vmem>>, %arg14: memref<512xf32, #tpu.memory_space<vmem>>, %arg15: memref<512xf32, #tpu.memory_space<vmem>>, %arg16: memref<!tpu.dma_semaphore, #tpu.memory_space<semaphore_mem>>, %arg17: memref<!tpu.dma_semaphore, #tpu.memory_space<semaphore_mem>>, %arg18: memref<!tpu.dma_semaphore, #tpu.memory_space<semaphore_mem>>, %arg19: memref<!tpu.dma_semaphore, #tpu.memory_space<semaphore_mem>>) attributes {dimension_semantics = [#tpu.dimension_semantics<core_parallel>, #tpu.dimension_semantics<subcore_parallel>], iteration_bounds = array<i64: 2, 16>, scalar_prefetch = 0 : i64, scratch_operands = 11 : i64, tpu.core_type = #tpu.core_type<sc_vector_subcore>, window_params = [{transform_indices = #map}, {transform_indices = #map}, {transform_indices = #map1}, {transform_indices = #map1}, {transform_indices = #map}, {transform_indices = #map}, {transform_indices = #map}]} {
    %mul3A = arith.constant 2 : i32
    %mul3A_0 = arith.muli %arg1, %mul3A : i32
    %add3A = arith.addi %mul3A_0, %arg0 : i32
    %mul3A_1 = arith.constant 512 : i32
    %mul3A_2 = arith.muli %add3A, %mul3A_1 : i32
    "tpu.region"() ({
      %run_scoped3A = tpu.sem_alloc : memref<!tpu.dma_semaphore, #tpu.memory_space<semaphore_mem>>
      %dma_start3A_26 = tpu.memref_slice %arg2[%mul3A_2] : memref<16384xi32, #tpu.memory_space<hbm>> -> memref<512xi32, #tpu.memory_space<hbm>>
      %dma_start3A_27 = tpu.memref_slice %arg2[%mul3A_2] : memref<16384xi32, #tpu.memory_space<hbm>> -> memref<512xi32, #tpu.memory_space<hbm>>
      tpu.enqueue_dma source(%dma_start3A_27 : memref<512xi32, #tpu.memory_space<hbm>>) target(%arg9 : memref<512xi32, #tpu.memory_space<vmem>>) target_semaphore(%run_scoped3A : memref<!tpu.dma_semaphore, #tpu.memory_space<semaphore_mem>>)
      %dma_wait3A_28 = tpu.memref_slice %arg2[%mul3A_2] : memref<16384xi32, #tpu.memory_space<hbm>> -> memref<512xi32, #tpu.memory_space<hbm>>
      %dma_wait3A_29 = tpu.memref_slice %arg2[%mul3A_2] : memref<16384xi32, #tpu.memory_space<hbm>> -> memref<512xi32, #tpu.memory_space<hbm>>
      tpu.wait_dma2 semaphore(%run_scoped3A : memref<!tpu.dma_semaphore, #tpu.memory_space<semaphore_mem>>) src(%dma_wait3A_29 : memref<512xi32, #tpu.memory_space<hbm>>) dst(%arg9 : memref<512xi32, #tpu.memory_space<vmem>>)
      tpu.yield
    }) : () -> ()
    "tpu.region"() ({
      %run_scoped3A = tpu.sem_alloc : memref<!tpu.dma_semaphore, #tpu.memory_space<semaphore_mem>>
      %dma_start3A_26 = tpu.memref_slice %arg3[%mul3A_2] : memref<16384xi32, #tpu.memory_space<hbm>> -> memref<512xi32, #tpu.memory_space<hbm>>
      %dma_start3A_27 = tpu.memref_slice %arg3[%mul3A_2] : memref<16384xi32, #tpu.memory_space<hbm>> -> memref<512xi32, #tpu.memory_space<hbm>>
      tpu.enqueue_dma source(%dma_start3A_27 : memref<512xi32, #tpu.memory_space<hbm>>) target(%arg10 : memref<512xi32, #tpu.memory_space<vmem>>) target_semaphore(%run_scoped3A : memref<!tpu.dma_semaphore, #tpu.memory_space<semaphore_mem>>)
      %dma_wait3A_28 = tpu.memref_slice %arg3[%mul3A_2] : memref<16384xi32, #tpu.memory_space<hbm>> -> memref<512xi32, #tpu.memory_space<hbm>>
      %dma_wait3A_29 = tpu.memref_slice %arg3[%mul3A_2] : memref<16384xi32, #tpu.memory_space<hbm>> -> memref<512xi32, #tpu.memory_space<hbm>>
      tpu.wait_dma2 semaphore(%run_scoped3A : memref<!tpu.dma_semaphore, #tpu.memory_space<semaphore_mem>>) src(%dma_wait3A_29 : memref<512xi32, #tpu.memory_space<hbm>>) dst(%arg10 : memref<512xi32, #tpu.memory_space<vmem>>)
      tpu.yield
    }) : () -> ()
    %dma_start3A = arith.constant 0 : i32
    %dma_start3A_3 = arith.constant 0 : i32
    %dma_start3A_4 = tpu.memref_slice %arg4[%dma_start3A, %dma_start3A_3] : memref<1000000x64xf32, #tpu.memory_space<hbm>> -> memref<1000000x64xf32, #tpu.memory_space<hbm>>
    tpu.enqueue_indirect_dma source(%dma_start3A_4 : memref<1000000x64xf32, #tpu.memory_space<hbm>>) target(%arg11 : memref<512x64xf32, #tpu.memory_space<vmem>>) offsets(%arg9 : memref<512xi32, #tpu.memory_space<vmem>>) semaphore(%arg16 : memref<!tpu.dma_semaphore, #tpu.memory_space<semaphore_mem>>)
    %dma_start3A_5 = arith.constant 0 : i32
    %dma_start3A_6 = arith.constant 0 : i32
    %dma_start3A_7 = tpu.memref_slice %arg5[%dma_start3A_5, %dma_start3A_6] : memref<100000x64xf32, #tpu.memory_space<hbm>> -> memref<100000x64xf32, #tpu.memory_space<hbm>>
    tpu.enqueue_indirect_dma source(%dma_start3A_7 : memref<100000x64xf32, #tpu.memory_space<hbm>>) target(%arg12 : memref<512x64xf32, #tpu.memory_space<vmem>>) offsets(%arg10 : memref<512xi32, #tpu.memory_space<vmem>>) semaphore(%arg17 : memref<!tpu.dma_semaphore, #tpu.memory_space<semaphore_mem>>)
    %dma_start3A_8 = arith.constant 0 : i32
    %dma_start3A_9 = tpu.memref_slice %arg6[%dma_start3A_8] : memref<1000000xf32, #tpu.memory_space<hbm>> -> memref<1000000xf32, #tpu.memory_space<hbm>>
    tpu.enqueue_indirect_dma source(%dma_start3A_9 : memref<1000000xf32, #tpu.memory_space<hbm>>) target(%arg13 : memref<512xf32, #tpu.memory_space<vmem>>) offsets(%arg9 : memref<512xi32, #tpu.memory_space<vmem>>) semaphore(%arg18 : memref<!tpu.dma_semaphore, #tpu.memory_space<semaphore_mem>>)
    %dma_start3A_10 = arith.constant 0 : i32
    %dma_start3A_11 = tpu.memref_slice %arg7[%dma_start3A_10] : memref<100000xf32, #tpu.memory_space<hbm>> -> memref<100000xf32, #tpu.memory_space<hbm>>
    tpu.enqueue_indirect_dma source(%dma_start3A_11 : memref<100000xf32, #tpu.memory_space<hbm>>) target(%arg14 : memref<512xf32, #tpu.memory_space<vmem>>) offsets(%arg10 : memref<512xi32, #tpu.memory_space<vmem>>) semaphore(%arg19 : memref<!tpu.dma_semaphore, #tpu.memory_space<semaphore_mem>>)
    %dma_wait3A = arith.constant 0 : i32
    %dma_wait3A_12 = arith.constant 0 : i32
    %dma_wait3A_13 = tpu.memref_slice %arg4[%dma_wait3A, %dma_wait3A_12] : memref<1000000x64xf32, #tpu.memory_space<hbm>> -> memref<1000000x64xf32, #tpu.memory_space<hbm>>
    tpu.wait_indirect_dma semaphore(%arg16 : memref<!tpu.dma_semaphore, #tpu.memory_space<semaphore_mem>>) src(%dma_wait3A_13 : memref<1000000x64xf32, #tpu.memory_space<hbm>>) dst(%arg11 : memref<512x64xf32, #tpu.memory_space<vmem>>)
    %dma_wait3A_14 = arith.constant 0 : i32
    %dma_wait3A_15 = arith.constant 0 : i32
    %dma_wait3A_16 = tpu.memref_slice %arg5[%dma_wait3A_14, %dma_wait3A_15] : memref<100000x64xf32, #tpu.memory_space<hbm>> -> memref<100000x64xf32, #tpu.memory_space<hbm>>
    tpu.wait_indirect_dma semaphore(%arg17 : memref<!tpu.dma_semaphore, #tpu.memory_space<semaphore_mem>>) src(%dma_wait3A_16 : memref<100000x64xf32, #tpu.memory_space<hbm>>) dst(%arg12 : memref<512x64xf32, #tpu.memory_space<vmem>>)
    %dma_wait3A_17 = arith.constant 0 : i32
    %dma_wait3A_18 = tpu.memref_slice %arg6[%dma_wait3A_17] : memref<1000000xf32, #tpu.memory_space<hbm>> -> memref<1000000xf32, #tpu.memory_space<hbm>>
    tpu.wait_indirect_dma semaphore(%arg18 : memref<!tpu.dma_semaphore, #tpu.memory_space<semaphore_mem>>) src(%dma_wait3A_18 : memref<1000000xf32, #tpu.memory_space<hbm>>) dst(%arg13 : memref<512xf32, #tpu.memory_space<vmem>>)
    %dma_wait3A_19 = arith.constant 0 : i32
    %dma_wait3A_20 = tpu.memref_slice %arg7[%dma_wait3A_19] : memref<100000xf32, #tpu.memory_space<hbm>> -> memref<100000xf32, #tpu.memory_space<hbm>>
    tpu.wait_indirect_dma semaphore(%arg19 : memref<!tpu.dma_semaphore, #tpu.memory_space<semaphore_mem>>) src(%dma_wait3A_20 : memref<100000xf32, #tpu.memory_space<hbm>>) dst(%arg14 : memref<512xf32, #tpu.memory_space<vmem>>)
    %iota3A = tpu.iota {dimensions = array<i32: 0>} : vector<16xi32>
    %scan3A = arith.constant 0 : i32
    %scan3A_21 = arith.constant 0 : i32
    %scan3A_22 = arith.constant 32 : i32
    %scan3A_23 = arith.addi %scan3A_21, %scan3A_22 : i32
    %scan3A_24 = arith.constant 1 : i32
    scf.for %scan3A_26 = %scan3A_21 to %scan3A_23 step %scan3A_24  : i32 {
      %broadcast_in_dim3A = arith.constant 0.000000e+00 : f32
      %broadcast_in_dim3A_27 = vector.broadcast %broadcast_in_dim3A : f32 to vector<16xf32>
      %scan3A_28 = arith.constant 0 : i32
      %scan3A_29 = arith.constant 16 : i32
      %scan3A_30 = arith.addi %scan3A_28, %scan3A_29 : i32
      %scan3A_31 = arith.constant 1 : i32
      %scan3A_32 = scf.for %scan3A_42 = %scan3A_28 to %scan3A_30 step %scan3A_31 iter_args(%scan3A_43 = %broadcast_in_dim3A_27) -> (vector<16xf32>)  : i32 {
        %mul3A_44 = arith.constant 16 : i32
        %mul3A_45 = arith.muli %scan3A_26, %mul3A_44 : i32
        %add3A_46 = arith.addi %mul3A_45, %scan3A_42 : i32
        %broadcast_in_dim3A_47 = arith.constant 0.000000e+00 : f32
        %broadcast_in_dim3A_48 = vector.broadcast %broadcast_in_dim3A_47 : f32 to vector<16xf32>
        %get3A_49 = arith.index_cast %add3A_46 : i32 to index
        %get3A_50 = arith.constant 0 : index
        %get3A_51 = tpu.vector_load %arg11[%get3A_49, %get3A_50] {strides = array<i32>} : memref<512x64xf32, #tpu.memory_space<vmem>>, vector<16xf32>,
        %get3A_52 = arith.index_cast %add3A_46 : i32 to index
        %get3A_53 = arith.constant 0 : index
        %get3A_54 = tpu.vector_load %arg12[%get3A_52, %get3A_53] {strides = array<i32>} : memref<512x64xf32, #tpu.memory_space<vmem>>, vector<16xf32>,
        %mul3A_55 = arith.mulf %get3A_51, %get3A_54 : vector<16xf32>
        %add3A_56 = arith.addf %broadcast_in_dim3A_48, %mul3A_55 : vector<16xf32>
        %get3A_57 = arith.index_cast %add3A_46 : i32 to index
        %get3A_58 = arith.constant 16 : index
        %get3A_59 = tpu.vector_load %arg11[%get3A_57, %get3A_58] {strides = array<i32>} : memref<512x64xf32, #tpu.memory_space<vmem>>, vector<16xf32>,
        %get3A_60 = arith.index_cast %add3A_46 : i32 to index
        %get3A_61 = arith.constant 16 : index
        %get3A_62 = tpu.vector_load %arg12[%get3A_60, %get3A_61] {strides = array<i32>} : memref<512x64xf32, #tpu.memory_space<vmem>>, vector<16xf32>,
        %mul3A_63 = arith.mulf %get3A_59, %get3A_62 : vector<16xf32>
        %add3A_64 = arith.addf %add3A_56, %mul3A_63 : vector<16xf32>
        %get3A_65 = arith.index_cast %add3A_46 : i32 to index
        %get3A_66 = arith.constant 32 : index
        %get3A_67 = tpu.vector_load %arg11[%get3A_65, %get3A_66] {strides = array<i32>} : memref<512x64xf32, #tpu.memory_space<vmem>>, vector<16xf32>,
        %get3A_68 = arith.index_cast %add3A_46 : i32 to index
        %get3A_69 = arith.constant 32 : index
        %get3A_70 = tpu.vector_load %arg12[%get3A_68, %get3A_69] {strides = array<i32>} : memref<512x64xf32, #tpu.memory_space<vmem>>, vector<16xf32>,
        %mul3A_71 = arith.mulf %get3A_67, %get3A_70 : vector<16xf32>
        %add3A_72 = arith.addf %add3A_64, %mul3A_71 : vector<16xf32>
        %get3A_73 = arith.index_cast %add3A_46 : i32 to index
        %get3A_74 = arith.constant 48 : index
        %get3A_75 = tpu.vector_load %arg11[%get3A_73, %get3A_74] {strides = array<i32>} : memref<512x64xf32, #tpu.memory_space<vmem>>, vector<16xf32>,
        %get3A_76 = arith.index_cast %add3A_46 : i32 to index
        %get3A_77 = arith.constant 48 : index
        %get3A_78 = tpu.vector_load %arg12[%get3A_76, %get3A_77] {strides = array<i32>} : memref<512x64xf32, #tpu.memory_space<vmem>>, vector<16xf32>,
        %mul3A_79 = arith.mulf %get3A_75, %get3A_78 : vector<16xf32>
        %add3A_80 = arith.addf %add3A_72, %mul3A_79 : vector<16xf32>
        %reduce_sum3A = arith.constant true
        %reduce_sum3A_81 = vector.broadcast %reduce_sum3A : i1 to vector<16xi1>
        %reduce_sum3A_82 = tpu.scan <sum>, %add3A_80 masked %reduce_sum3A_81 : vector<16xf32>, vector<16xi1> -> vector<16xf32>
        %reduce_sum3A_83 = vector.extract %reduce_sum3A_82[15] : f32 from vector<16xf32>
        %eq3A = vector.broadcast %scan3A_42 : i32 to vector<16xi32>
        %eq3A_84 = arith.cmpi eq, %iota3A, %eq3A : vector<16xi32>
        %broadcast_in_dim3A_85 = vector.broadcast %reduce_sum3A_83 : f32 to vector<16xf32>
        %select_n3A = arith.select %eq3A_84, %broadcast_in_dim3A_85, %scan3A_43 : vector<16xi1>, vector<16xf32>
        scf.yield %select_n3A : vector<16xf32>
      }
      %scan3A_33 = arith.constant 16 : i32
      %mul3A_34 = arith.constant 16 : i32
      %mul3A_35 = arith.muli %scan3A_26, %mul3A_34 : i32
      %get3A = arith.index_cast %mul3A_35 : i32 to index
      %get3A_36 = tpu.vector_load %arg13[%get3A] {strides = array<i32>} : memref<512xf32, #tpu.memory_space<vmem>>, vector<16xf32>,
      %add3A_37 = arith.addf %scan3A_32, %get3A_36 : vector<16xf32>
      %get3A_38 = arith.index_cast %mul3A_35 : i32 to index
      %get3A_39 = tpu.vector_load %arg14[%get3A_38] {strides = array<i32>} : memref<512xf32, #tpu.memory_space<vmem>>, vector<16xf32>,
      %add3A_40 = arith.addf %add3A_37, %get3A_39 : vector<16xf32>
      %swap3A = arith.index_cast %mul3A_35 : i32 to index
      %swap3A_41 = tpu.vector_load %arg15[%swap3A] {strides = array<i32>} : memref<512xf32, #tpu.memory_space<vmem>>, vector<16xf32>,
      tpu.vector_store %arg15[%swap3A], %add3A_40 {strides = array<i32>} : memref<512xf32, #tpu.memory_space<vmem>>, vector<16xf32>,
    }
    %scan3A_25 = arith.constant 32 : i32
    "tpu.region"() ({
      %run_scoped3A = tpu.sem_alloc : memref<!tpu.dma_semaphore, #tpu.memory_space<semaphore_mem>>
      %dma_start3A_26 = tpu.memref_slice %arg8[%mul3A_2] : memref<16384xf32, #tpu.memory_space<hbm>> -> memref<512xf32, #tpu.memory_space<hbm>>
      %dma_start3A_27 = tpu.memref_slice %arg8[%mul3A_2] : memref<16384xf32, #tpu.memory_space<hbm>> -> memref<512xf32, #tpu.memory_space<hbm>>
      tpu.enqueue_dma source(%arg15 : memref<512xf32, #tpu.memory_space<vmem>>) target(%dma_start3A_27 : memref<512xf32, #tpu.memory_space<hbm>>) target_semaphore(%run_scoped3A : memref<!tpu.dma_semaphore, #tpu.memory_space<semaphore_mem>>)
      %dma_wait3A_28 = tpu.memref_slice %arg8[%mul3A_2] : memref<16384xf32, #tpu.memory_space<hbm>> -> memref<512xf32, #tpu.memory_space<hbm>>
      %dma_wait3A_29 = tpu.memref_slice %arg8[%mul3A_2] : memref<16384xf32, #tpu.memory_space<hbm>> -> memref<512xf32, #tpu.memory_space<hbm>>
      tpu.wait_dma2 semaphore(%run_scoped3A : memref<!tpu.dma_semaphore, #tpu.memory_space<semaphore_mem>>) src(%arg15 : memref<512xf32, #tpu.memory_space<vmem>>) dst(%dma_wait3A_29 : memref<512xf32, #tpu.memory_space<hbm>>)
      tpu.yield
    }) : () -> ()
    return
  }
}

</mosaic_0001>

<sc_bundles>
// kernel: kernel.3.cloned.1.call-start
scs
__scs_entry_jumppad:
0x0: {  	(pc) =	sbr.rel $0x88, $3  }
0x1: {  	(tag) =	ssettag $0x0;
	lr =	simm.s32 $0x1  }
0x2: {  	[smem:$0x3F9B] =	sst lr;
	_ =	strace $0xD0000000  }
0x3: {  	_ = 	snop  }
0x4: {  	_ = 	snop  }
0x5: {  	_ = 	snop  }
0x6: {  	_ = 	snop  }
0x7: {  	_ = 	snop  }
__scs_overlays_trampoline_lowered:
0x8: {  	[smem:$0x3FAA] =	sst s0  }
0x9: {  	[smem:$0x3FAB] =	sst s1  }
0xa: {  	[smem:$0x3FAC] =	sst s2  }
0xb: {  	[smem:$0x3FAD] =	sst s3  }
0xc: {  	[smem:$0x3FAE] =	sst s4  }
0xd: {  	[smem:$0x3FAF] =	sst s5  }
0xe: {  	[smem:$0x3FB0] =	sst s6  }
0xf: {  	[smem:$0x3FB1] =	sst s7  }
0x10: {  	[smem:$0x3FB2] =	sst s8  }
0x11: {  	[smem:$0x3FB3] =	sst s9;
	s0 =	simm.s32 @!p0 $0x0  }
0x12: {  	s1 =	sld [smem:$0x3F99];
	s0 =	simm.s32 @p0 $0x1  }
0x13: {  	[smem:$0x3FB4] =	sst s0;
	s0 =	simm.s32 @!p1 $0x0  }
0x14: {  	s2 =	sld [smem:$0x3F98];
	s0 =	simm.s32 @p1 $0x1  }
0x15: {  	[smem:$0x3FB5] =	sst s0;
	s0 =	simm.s32 @!p2 $0x0  }
0x16: {  	s3 =	sld [smem:$0x3FDB];
	s0 =	simm.s32 @p2 $0x1  }
0x17: {  	s4 =	simm.s32 $0x1BF5;
	[smem:$0x3FB7] =	sst s0  }
0x18: {  	s0 =	sld [smem:$0x3F9A];
	_ =	swait.ge [sflag:s4], $0x0  }
0x19: {  	s7 =	sld [smem:$0x3F9B]  }
0x1a: {  	s8 =	sadd.s32 $0xFFFFE003, lr  }
0x1b: {  	s9 =	sadd.s32 $0xFFFFFEF7, lr;
	s5 =	simm.s32 $0xFFFFFFFF;
	p2 =	slt.u32 s8, $0xFFFFF086  }
0x1c: {  	p1 =	slt.u32 s9, $0xF7A;
	s5 =	simm.s32 @!p2 $0x0  }
0x1d: {  	s5 =	simm.s32 @p1 $0x1;
	p0 =	seq.s32 s7, s2  }
0x1e: {  	s7 =	smul.u32 @!p0 $0xF7A, s2;
	p2 =	seq.s32 @!p0 s5, $0x0  }
0x1f: {  	s9 =	smul.u32 $0xF7A, s1;
	s8 =	simm.s32 @!p0 $0x1BF5;
	p2 =	por !p2, p0  }
0x20: {  	[sflag:s8] =	ssyncset.s32 @!p0 $0xFFFFF086;
	s6 =	sadd.s32 @!p0 s3, s7;
	s7 =	simm.s32 @!p0 $0x108  }
0x21: {  	s3 =	sadd.s32 s3, s9;
	s6 =	sadd.s32 @!p0 $0x88, s6;
	s7 =	simm.s32 @p2 $0x1082  }
0x22: {  	[simem:s7], [sflag:s8] =	dma.local @!p0 [hbm:s6], $0xF7A  }
0x23: {  	s9 =	sor.u32 $0xD0000000, s2;
	s6 =	simm.s32 $0x108;
	_ =	swait.ge @!p0 [sflag:s8], $0x0  }
0x24: {  	s3 =	sadd.s32 $0x88, s3;
	s6 =	simm.s32 @!p1 $0x1082;
	[sflag:s4] =	ssyncset.s32 $0xFFFFF086  }
0x25: {  	[simem:s6], [sflag:s4] =	dma.local [hbm:s3], $0xF7A  }
0x26: {  	[smem:$0x3F9B] =	sst s1;
	(tag) =	ssettag s2;
	_ =	strace s9  }
0x27: {  	s1 =	sld [smem:$0x3FAB]  }
0x28: {  	s2 =	sld [smem:$0x3FAC]  }
0x29: {  	s4 =	sld [smem:$0x3FAE]  }
0x2a: {  	p0 =	seq.s32 s5, $0x0;
	s5 =	sld [smem:$0x3FAF]  }
0x2b: {  	s6 =	sld [smem:$0x3FB0]  }
0x2c: {  	s7 =	sld [smem:$0x3FB1]  }
0x2d: {  	s3 =	simm.s32 $0x108;
	s8 =	sld [smem:$0x3FB2]  }
0x2e: {  	s3 =	simm.s32 @!p0 $0x1082;
	s9 =	sld [smem:$0x3FB3]  }
0x2f: {  	lr =	sadd.s32 s0, s3;
	s0 =	sld [smem:$0x3FAA]  }
0x30: {  	s3 =	sld [smem:$0x3FAD]  }
0x31: {  	[smem:$0x3FB6] =	sst s10  }
0x32: {  	s10 =	sld [smem:$0x3FB4];
	_ =	sdelay $0x3  }
0x33: {  	p0 =	seq.s32 s10, $0x1;
	s10 =	sld [smem:$0x3FB6];
	_ =	sdelay $0x3  }
0x34: {  	[smem:$0x3FB6] =	sst s10  }
0x35: {  	s10 =	sld [smem:$0x3FB5];
	_ =	sdelay $0x3  }
0x36: {  	p1 =	seq.s32 s10, $0x1;
	s10 =	sld [smem:$0x3FB6];
	_ =	sdelay $0x3  }
0x37: {  	[smem:$0x3FB6] =	sst s10  }
0x38: {  	s10 =	sld [smem:$0x3FB7]  }
0x39: {  	_ = 	snop;
	(pc) =	sbr.ind lr, $3  }
0x3a: {  	_ = 	snop  }
0x3b: {  	_ = 	snop  }
0x3c: {  	p2 =	seq.s32 s10, $0x1;
	s10 =	sld [smem:$0x3FB6]  }
0x3d: {  	_ =	shalt  }
0x3e: {  	_ =	shalt  }
0x3f: {  	_ =	shalt  }
0x40: {  	_ =	shalt  }
0x41: {  	_ =	shalt  }
0x42: {  	_ =	shalt  }
0x43: {  	_ =	shalt  }
0x44: {  	_ =	shalt  }
0x45: {  	_ =	shalt  }
0x46: {  	_ =	shalt  }
0x47: {  	_ =	shalt  }
0x48: {  	_ =	shalt  }
0x49: {  	_ =	shalt  }
0x4a: {  	_ =	shalt  }
0x4b: {  	_ =	shalt  }
0x4c: {  	_ =	shalt  }
0x4d: {  	_ =	shalt  }
0x4e: {  	_ =	shalt  }
0x4f: {  	_ =	shalt  }
0x50: {  	_ =	shalt  }
0x51: {  	_ =	shalt  }
0x52: {  	_ =	shalt  }
0x53: {  	_ =	shalt  }
0x54: {  	_ =	shalt  }
0x55: {  	_ =	shalt  }
0x56: {  	_ =	shalt  }
0x57: {  	_ =	shalt  }
0x58: {  	_ =	shalt  }
0x59: {  	_ =	shalt  }
0x5a: {  	_ =	shalt  }
0x5b: {  	_ =	shalt  }
0x5c: {  	_ =	shalt  }
0x5d: {  	_ =	shalt  }
0x5e: {  	_ =	shalt  }
0x5f: {  	_ =	shalt  }
0x60: {  	_ =	shalt  }
0x61: {  	_ =	shalt  }
0x62: {  	_ =	shalt  }
0x63: {  	_ =	shalt  }
0x64: {  	_ =	shalt  }
0x65: {  	_ =	shalt  }
0x66: {  	_ =	shalt  }
0x67: {  	_ =	shalt  }
0x68: {  	_ =	shalt  }
0x69: {  	_ =	shalt  }
0x6a: {  	_ =	shalt  }
0x6b: {  	_ =	shalt  }
0x6c: {  	_ =	shalt  }
0x6d: {  	_ =	shalt  }
0x6e: {  	_ =	shalt  }
0x6f: {  	_ =	shalt  }
0x70: {  	_ =	shalt  }
0x71: {  	_ =	shalt  }
0x72: {  	_ =	shalt  }
0x73: {  	_ =	shalt  }
0x74: {  	_ =	shalt  }
0x75: {  	_ =	shalt  }
0x76: {  	_ =	shalt  }
0x77: {  	_ =	shalt  }
0x78: {  	_ =	shalt  }
0x79: {  	_ =	shalt  }
0x7a: {  	_ =	shalt  }
0x7b: {  	_ =	shalt  }
0x7c: {  	_ =	shalt  }
0x7d: {  	_ =	shalt  }
0x7e: {  	_ =	shalt  }
0x7f: {  	_ =	shalt  }
0x80: {  	_ =	shalt  }
0x81: {  	_ =	shalt  }
0x82: {  	_ =	shalt  }
0x83: {  	_ =	shalt  }
0x84: {  	_ =	shalt  }
0x85: {  	_ =	shalt  }
0x86: {  	_ =	shalt  }
0x87: {  	_ =	shalt  }
.Lfunc_end0:
.L_simem_size_0:
called_computation_lowered:
.L_overlay_start_0:
0x88: {  	s2 =	sld [smem:$0x3FD9]  }
0x89: {  	s3 =	sld [smem:$0x3FFE];
	_ =	sdelay $0x1  }
0x8a: {  	s1 =	srdreg.scid  }
0x8b: {  	s0 =	sand.u32 $0x1, s1  }
0x8c: {  	s17 =	sshll.u32 s0, $0xA;
	s2 =	sadd.s32 s3, s2  }
0x8d: {  	s2 =	sadd.s32 s2, s17  }
0x8e: {  	[smem:$0x3FC2] =	sst s2  }
0x8f: {  	_ = 	snop  }
0x90: {  	s2 =	sld [smem:$0x3FC9]  }
0x91: {  	s18 =	sld [smem:$0x3FC8]  }
0x92: {  	s4 =	sld [smem:$0x3FD0];
	(tm) =	ssettm $0x1  }
0x93: {  	s5 =	sld [smem:$0x3FFB];
	_ =	sdelay $0x3  }
0x94: {  	_ =	strace s5  }
0x95: {  	s5 =	sld [smem:$0x3FFC];
	_ =	sdelay $0x3  }
0x96: {  	_ =	strace s5  }
0x97: {  	s5 =	sld [smem:$0x3FFD];
	_ =	sdelay $0x3  }
0x98: {  	_ =	strace s5  }
0x99: {  	_ =	strace $0x8FFFFFFF  }
0x9a: {  	s19 =	sld [smem:$0x3FDB];
	_ =	sdelay $0x1  }
0x9b: {  	s6 =	simm.s32 $_scs_section_size  }
0x9c: {  	s7 =	simm.s32 $_size__tile_overlayer_lowered;
	s8 =	simm.s32 $_tile_overlayer_lowered  }
0x9d: {  	s22 =	simm.s32 $0x1BFF;
	s21 =	sshll.u32 s8, $0x1;
	s5 =	sadd.s32 s6, s19  }
0x9e: {  	s9 =	simm.s32 $0x0;
	s20 =	sshll.u32 s7, $0x1;
	s7 =	sadd.s32 s21, s5  }
0x9f: {  	[timem:s9], [sflag:s22] =	dma.local [hbm:s7], s20  }
0xa0: {  	_ =	swait.ge [sflag:s22], s20  }
0xa1: {  	s6 =	ssub.s32 $0x0, s20;
	[sflag:s22] =	ssyncset.done $0x0  }
0xa2: {  	[sflag:s22] =	ssyncadd.s32 s6;
	_ =	sdelay $0x1  }
0xa3: {  	s23 =	simm.s32 $0x1B8B  }
0xa4: {  	_ =	swait.ge [sflag:s23], $0x1  }
0xa5: {  	[sflag:s23] =	ssyncset.done $0x0  }
0xa6: {  	s25 =	simm.s32 $0x1B8E;
	s24 =	sld [smem:$0x3FFE];
	[sflag:s23] =	ssyncadd.s32 $0xFFFFFFFF  }
0xa7: {  	s26 =	simm.s32 $execute0_lowered;
	[smem:$0x3FD2] =	sst s25  }
0xa8: {  	s7 =	sshll.u32 s26, $0x1;
	_ =	strace $0x80000046;
	[dreg:$0x1] =	wrdreg $0xFFFFFFFF  }
0xa9: {  	s28 =	simm.s32 $_size_execute0_lowered;
	s5 =	sadd.s32 s5, s7;
	[dreg:$0x0] =	wrdreg $0x0  }
0xaa: {  	s7 =	sshll.u32 s28, $0x1;
	[dreg:$0x2] =	wrdreg s5  }
0xab: {  	[dreg:$0x3] =	wrdreg s7  }
0xac: {  	[dreg:$0x4] =	wrdreg $0xC0  }
0xad: {  	_ =	task [dreg:s9], $0x5FFFF  }
0xae: {  	[dreg:$0x1] =	wrdreg $0xFFFFFFFF  }
0xaf: {  	[dreg:$0x0] =	wrdreg $0x60  }
0xb0: {  	[dreg:$0x2] =	wrdreg s2  }
0xb1: {  	[dreg:$0x3] =	wrdreg s18  }
0xb2: {  	[dreg:$0x4] =	wrdreg s24  }
0xb3: {  	[dreg:$0x5] =	wrdreg s4  }
0xb4: {  	[dreg:$0x6] =	wrdreg $0x9  }
0xb5: {  	_ =	task.clear_ibuf [dreg:s9], $0x7FFFF;
	_ =	strace $0x90000046  }
0xb6: {  	s29 =	simm.s32 $0x9;
	_ =	strace $0x80000048  }
0xb7: {  	_ =	swait.ge [sflag:s29], $0x1  }
0xb8: {  	[sflag:s29] =	ssyncadd.s32 $0xFFFFFFFF  }
0xb9: {  	_ =	strace $0x90000048  }
0xba: {  	_ =	sfence  }
0xbb: {  	s30 =	sld [smem:$0x0];
	_ =	sdelay $0x2  }
0xbc: {  	s31 =	sshll.u32 s1, $0xD;
	s1 =	sshrl.u32 s1, $0x2  }
0xbd: {  	s3 =	sand.u32 $0x4000, s31;
	s1 =	sadd.s32 s1, s30  }
0xbe: {  	s0 =	sor.u32 s3, s0;
	s1 =	sshll.u32 s1, $0x11  }
0xbf: {  	s0 =	sor.u32 s1, s0  }
0xc0: {  	s0 =	sadd.s32 $0x8F2B, s0  }
0xc1: {  	[sflag:s0] =	ssyncadd.remote.s32 $0x1  }
0xc2: {  	_ =	sfence.sel $0xFFFF  }
0xc3: {  	[dreg:$0x0] =	wrdreg $0xFFFFFFFF;
	(pc) =	sbr.abs _section_cstart, $3  }
0xc4: {  	[dreg:$0x1] =	wrdreg $0xFFFFFFFF  }
0xc5: {  	_ =	task.clear_ibuf [dreg:s9], $0x2FFFF;
	_ =	strace $0x9FFFFFFF  }
0xc6: {  	(tm) =	ssettm $0x7FFFFFFF  }
0xc7: {  	_ =	shalt  }
tec
execute0_lowered:
.L_overlay_start_1:
0x0: {  	(tag) =	ssettag $0x1  }
0x1: {  	s0 =	rddreg [dreg:$0x0]  }
0x2: {  	s3 =	rddreg [dreg:$0x1]  }
0x3: {  	s1 =	rddreg [dreg:$0x2]  }
0x4: {  	s9 =	rddreg [dreg:$0x3];
	s2 =	simm.s32 $0x0  }
0x5: {  	s5 =	srdreg.scid;
	s6 =	stileid.u32;
	s12 =	simm.s32 $0x200  }
0x6: {  	s13 =	simm.s32 $0x400;
	s14 =	simm.s32 $0x8400;
	s15 =	simm.s32 $0x10400  }
0x7: {  	s16 =	simm.s32 $0x10600;
	s17 =	simm.s32 $0x1;
	s18 =	simm.s32 $0x2  }
0x8: {  	s19 =	simm.s32 $0x3;
	s20 =	simm.s32 $0x4;
	s21 =	simm.s32 $0x10800  }
0x9: {  	s22 =	simm.s32 $0x0;
	[smem:$0x7FF] =	sst s2;
	s4 =	sadd.s32 $0xF42400, s1  }
0xa: {  	s5 =	sand.u32 $0x1, s5;
	s6 =	sshll.u32 s6, $0x7;
	_ =	strace $0x80000047  }
0xb: {  	s7 =	ssub.s32 $0x2, s5;
	s8 =	sshll.u32 s5, $0x6;
	s5 =	sadd.s32 $0x186A00, s1  }
0xc: {  	s10 =	sshrl.u32 s7, $0x1;
	s11 =	sor.u32 s8, s6;
	s6 =	sadd.s32 $0x1EA00, s1  }
0xd: {  	s10 =	ssub.s32 s7, s10;
	s7 =	sadd.s32 s0, s11;
	s8 =	sadd.s32 s3, s11  }
0xe: {  	v0 =	vlaneseq.u32;
	s9 =	sadd.s32 s9, s11;
	s11 =	simm.s32 $0x5;
	s10 =	smax.u32 s10, $0x1  }
.LBB2_1:
0xf: {  	[tilespmem:s2], [sflag:$0x5] =	stream.linear.gather [hbm4b:s7+s2], $0x200, $0x38;
	[tilespmem:$0x10A00] =	vst v63  }
0x10: {  	_ =	swait.ge [sflag:s11], $0x200  }
0x11: {  	[sflag:s11] =	ssyncset.done $0x0  }
0x12: {  	[sflag:s11] =	ssyncadd.s32 $0xFFFFFE00  }
0x13: {  	[tilespmem:s12], [sflag:$0x5] =	stream.linear.gather [hbm4b:s8+s2], $0x200, $0x38;
	[tilespmem:$0x10A00] =	vst v63  }
0x14: {  	_ =	swait.ge [sflag:s11], $0x200  }
0x15: {  	[sflag:s11] =	ssyncset.done $0x0  }
0x16: {  	[sflag:s11] =	ssyncadd.s32 $0xFFFFFE00  }
0x17: {  	[tilespmem:s13], [sflag:$0x1] =	stream.indirect.gather [hbm4b:s4+s12], $0x40, s2, s12, $0xb8;
	[tilespmem:$0x10A00] =	vst v63  }
0x18: {  	_ = 	snop  }
0x19: {  	[tilespmem:s14], [sflag:$0x2] =	stream.indirect.gather [hbm4b:s5+s12], $0x40, s12, s12, $0xb8;
	[tilespmem:$0x10A00] =	vst v63  }
0x1a: {  	_ = 	snop  }
0x1b: {  	[tilespmem:s15], [sflag:$0x3] =	stream.indirect.gather [hbm4b:s1+s12], $0x1, s2, s12, $0xb8;
	[tilespmem:$0x10A00] =	vst v63  }
0x1c: {  	_ = 	snop  }
0x1d: {  	[tilespmem:s16], [sflag:$0x4] =	stream.indirect.gather [hbm4b:s6+s12], $0x1, s12, s12, $0xb8;
	[tilespmem:$0x10A00] =	vst v63  }
0x1e: {  	_ =	swait.ge [sflag:s17], $0x8000  }
0x1f: {  	[sflag:s17] =	ssyncset.done $0x0  }
0x20: {  	[sflag:s17] =	ssyncadd.s32 $0xFFFF8000  }
0x21: {  	_ =	swait.ge [sflag:s18], $0x8000  }
0x22: {  	[sflag:s18] =	ssyncset.done $0x0  }
0x23: {  	[sflag:s18] =	ssyncadd.s32 $0xFFFF8000  }
0x24: {  	_ =	swait.ge [sflag:s19], $0x200  }
0x25: {  	[sflag:s19] =	ssyncset.done $0x0  }
0x26: {  	[sflag:s19] =	ssyncadd.s32 $0xFFFFFE00  }
0x27: {  	_ =	swait.ge [sflag:s20], $0x200  }
0x28: {  	s23 =	simm.s32 $0x420;
	[sflag:s20] =	ssyncset.done $0x0  }
0x29: {  	s24 =	simm.s32 $0x8420;
	s25 =	simm.s32 $0x0;
	[sflag:s20] =	ssyncadd.s32 $0xFFFFFE00  }
.LBB2_2:
0x2a: {  	v1 =	vld [tilespmem:s23+$0xFFFFFFE0]  }
0x2b: {  	v2 =	vld [tilespmem:s24+$0xFFFFFFE0]  }
0x2c: {  	v3 =	vld [tilespmem:s23+$0xFFFFFFF0]  }
0x2d: {  	v4 =	vld [tilespmem:s24+$0xFFFFFFF0]  }
0x2e: {  	v5 =	vld [tilespmem:s23+$0x0]  }
0x2f: {  	v6 =	vld [tilespmem:s24+$0x0]  }
0x30: {  	v7 =	vld [tilespmem:s23+$0x10]  }
0x31: {  	v8 =	vld [tilespmem:s24+$0x10];
	s0 =	sadd.s32 $0x40, s23;
	v1 =	vmul.f32 v2, v1  }
0x32: {  	s3 =	sadd.s32 $0x40, s24;
	v9 =	vld [tilespmem:s0+$0xFFFFFFE0]  }
0x33: {  	v10 =	vld [tilespmem:s3+$0xFFFFFFE0];
	v3 =	vmul.f32 v4, v3;
	v1 =	vadd.f32 $0.0e+00, v1  }
0x34: {  	v11 =	vld [tilespmem:s0+$0xFFFFFFF0]  }
0x35: {  	v12 =	vld [tilespmem:s3+$0xFFFFFFF0];
	v1 =	vadd.f32 v3, v1;
	v3 =	vmul.f32 v6, v5  }
0x36: {  	v13 =	vld [tilespmem:s0+$0x0]  }
0x37: {  	v14 =	vld [tilespmem:s3+$0x0];
	v7 =	vmul.f32 v8, v7;
	v1 =	vadd.f32 v3, v1  }
0x38: {  	v2 =	vld [tilespmem:s0+$0x10];
	v9 =	vmul.f32 v10, v9  }
0x39: {  	v10 =	vld [tilespmem:s3+$0x10];
	v1 =	vadd.f32 v7, v1  }
0x3a: {  	s0 =	sadd.s32 $0x40, s0;
	v11 =	vmul.f32 v12, v11;
	v9 =	vadd.f32 $0.0e+00, v9  }
0x3b: {  	v4 =	vld [tilespmem:s0+$0xFFFFFFE0];
	s3 =	sadd.s32 $0x40, s3;
	(xrf2) =	vadd.scan.msk.f32 $0xffff, v1  }
0x3c: {  	v63 =	vld [tilespmem:s3+$0xFFFFFFE0];
	v6 =	vmul.f32 v14, v13;
	v5 =	vadd.f32 v11, v9  }
0x3d: {  	v15 =	vld [tilespmem:s0+$0xFFFFFFF0]  }
0x3e: {  	v9 =	vld [tilespmem:s3+$0xFFFFFFF0];
	v8 =	vmul.f32 v10, v2;
	v6 =	vadd.f32 v6, v5  }
0x3f: {  	v3 =	vld [tilespmem:s0+$0x0]  }
0x40: {  	v5 =	vld [tilespmem:s3+$0x0];
	v10 =	vadd.f32 v8, v6  }
0x41: {  	v2 =	vld [tilespmem:s0+$0x10];
	v7 =	vmul.f32 v63, v4  }
0x42: {  	s31 =	sadd.s32 $0x40, s0;
	v4 =	vld [tilespmem:s3+$0x10];
	(xrf2) =	vadd.scan.msk.f32 $0xffff, v10  }
0x43: {  	s30 =	simm.s32 $0x0;
	s29 =	simm.s32 $0x1;
	s0 =	sadd.s32 $0x40, s3;
	v6 =	vld [tilespmem:s31+$0xFFFFFFE0];
	v8 =	vadd.f32 $0.0e+00, v7;
	v9 =	vmul.f32 v9, v15  }
0x44: {  	s26 =	simm.s32 $0x2;
	s28 =	simm.s32 $0x3;
	s3 =	simm.s32 $0x4;
	v1 =	vimm.f32 $0.0e+00;
	v7 =	vld [tilespmem:s0+$0xFFFFFFE0]  }
.LBB2_3:
0x45: {  	p0 =	sne.s32 s3, $0xF;
	v10 =	vld [tilespmem:s31+$0xFFFFFFF0];
	v8 =	vadd.f32 v9, v8;
	v5 =	vmul.f32 v5, v3;
	v3, _, _ =	vpop (xrf2)  }
0x46: {  	v11 =	vmov s30;
	s30 =	smov.u32 s29;
	s29 =	smov.u32 s26;
	s26 =	smov.u32 s28;
	v9 =	vld [tilespmem:s0+$0xFFFFFFF0];
	v12 =	vbroadcast v3, $0xF  }
0x47: {  	s28 =	smov.u32 s3;
	vm0 =	veq.s32 v11, v0;
	v3 =	vld [tilespmem:s31+$0x0];
	v8 =	vadd.f32 v5, v8;
	v4 =	vmul.f32 v4, v2  }
.Ltmp0:
0x48: {  	v5 =	vld [tilespmem:s0+$0x0];
	v1 =	vsel vm0, v12, v1;
	(pc) =	sbr.rel @p0 .LBB2_3-.Ltmp0, $4  }
0x49: {  	v7 =	vmul.f32 v7, v6;
	v2 =	vld [tilespmem:s31+$0x10];
	v11 =	vadd.f32 v4, v8  }
0x4a: {  	s31 =	sadd.s32 $0x40, s31;
	v4 =	vld [tilespmem:s0+$0x10]  }
0x4b: {  	s0 =	sadd.s32 $0x40, s0;
	v6 =	vld [tilespmem:s31+$0xFFFFFFE0];
	v8 =	vadd.f32 $0.0e+00, v7;
	v9 =	vmul.f32 v9, v10;
	(xrf2) =	vadd.scan.msk.f32 $0xffff, v11  }
0x4c: {  	s3 =	sadd.s32 $0x1, s3;
	v7 =	vld [tilespmem:s0+$0xFFFFFFE0]  }
0x4d: {  	v10 =	vld [tilespmem:s31+$0xFFFFFFF0]  }
0x4e: {  	v11 =	vld [tilespmem:s0+$0xFFFFFFF0]  }
0x4f: {  	v12 =	vld [tilespmem:s31+$0x0]  }
0x50: {  	v13 =	vld [tilespmem:s0+$0x0]  }
0x51: {  	v54 =	vld [tilespmem:s31+$0x10];
	v6 =	vmul.f32 v7, v6  }
0x52: {  	v14 =	vld [tilespmem:s0+$0x10]  }
0x53: {  	v10 =	vmul.f32 v11, v10;
	v6 =	vadd.f32 $0.0e+00, v6  }
0x54: {  	v8 =	vadd.f32 v9, v8;
	v3 =	vmul.f32 v5, v3  }
0x55: {  	v56 =	vmul.f32 v13, v12;
	v55 =	vadd.f32 v10, v6  }
0x56: {  	v3 =	vadd.f32 v3, v8;
	v2 =	vmul.f32 v4, v2  }
0x57: {  	v58 =	vmul.f32 v14, v54;
	v57 =	vadd.f32 v56, v55  }
0x58: {  	v2 =	vadd.f32 v2, v3  }
0x59: {  	v3 =	vadd.f32 v58, v57  }
0x5a: {  	(xrf2) =	vadd.scan.msk.f32 $0xffff, v2  }
0x5b: {  	(xrf2) =	vadd.scan.msk.f32 $0xffff, v3;
	_ =	sdelay $0x3  }
0x5c: {  	v2, _, _ =	vpop (xrf2)  }
0x5d: {  	v2 =	vbroadcast v2, $0xF;
	_ =	sdelay $0x1  }
0x5e: {  	v59 =	vmov s30;
	v3, _, _ =	vpop (xrf2)  }
0x5f: {  	v60 =	vmov s29;
	s31 =	sshll.u32 s25, $0x4;
	vm0 =	veq.s32 v59, v0;
	v3 =	vbroadcast v3, $0xF  }
0x60: {  	vm13 =	veq.s32 v60, v0;
	v61 =	vld [tilespmem:s31+$0x10400];
	v1 =	vsel vm0, v2, v1;
	v2, _, _ =	vpop (xrf2)  }
0x61: {  	v2 =	vbroadcast v2, $0xF;
	v1 =	vsel vm13, v3, v1;
	v3 =	vmov s26;
	v62, _, _ =	vpop (xrf2)  }
0x62: {  	v63 =	vld [tilespmem:s31+$0x10600];
	vm14 =	veq.s32 v3, v0;
	v3 =	vmov s28;
	v5 =	vbroadcast v62, $0xF  }
0x63: {  	s25 =	sadd.s32 $0x1, s25;
	v1 =	vsel vm14, v2, v1;
	vm15 =	veq.s32 v3, v0  }
0x64: {  	p0 =	sne.s32 s25, $0x20;
	v1 =	vsel vm15, v5, v1  }
.Ltmp1:
0x65: {  	v1 =	vadd.f32 v61, v1;
	(pc) =	sbr.rel @p0 .LBB2_2-.Ltmp1, $3  }
0x66: {  	_ = 	snop  }
0x67: {  	v1 =	vadd.f32 v63, v1;
	_ =	sdelay $0x1  }
0x68: {  	s23 =	sadd.s32 $0x400, s23;
	s24 =	sadd.s32 $0x400, s24;
	[tilespmem:s31+$0x10800] =	vst v1  }
0x69: {  	s22 =	sadd.s32 $0x1, s22  }
0x6a: {  	p0 =	sne.s32 s22, s10  }
.Ltmp2:
0x6b: {  	_ = 	snop;
	(pc) =	sbr.rel @p0 .LBB2_1-.Ltmp2, $4  }
0x6c: {  	[hbm4b:s9+s2] =	stream.linear.scatter [tilespmem:s21], [sflag:$0x5], $0x200, $0x38;
	[tilespmem:$0x10A00] =	vst v63  }
0x6d: {  	_ =	swait.ge [sflag:s11], $0x200  }
0x6e: {  	[sflag:s11] =	ssyncset.done $0x0  }
0x6f: {  	[sflag:s11] =	ssyncadd.s32 $0xFFFFFE00  }
0x70: {  	_ =	sfence.sel $0x180000  }
0x71: {  	[bflag:$0x0] =	sbarrier.arrive $0xFFFF  }
0x72: {  	_ =	strace $0x90000047  }
0x73: {  	s0 =	stileid.u32;
	[bflag:$0x2] =	sbarrier.arrive $0xFFFF  }
0x74: {  	p0 =	sne.s32 s0, $0x0;
	s0 =	rddreg [dreg:$0x4]  }
0x75: {  	s0 =	sadd.s32 @!p0 $0x100000, s0  }
0x76: {  	[sflag:s0] =	ssyncadd.tile.s32 @!p0 $0x1;
	_ =	shalt  }
.Lfunc_end2:
_tile_overlayer_lowered:
.L_overlay_start_2:
0x77: {  	(tag) =	ssettag $0x2  }
0x78: {  	s0 =	rddreg [dreg:$0x0];
	s2 =	stileid.u32  }
0x79: {  	s1 =	rddreg [dreg:$0x1];
	p0 =	sne.s32 s2, $0x0  }
0x7a: {  	s3 =	rddreg [dreg:$0x2];
	[bflag:$0x3] =	sbarrier.arrive $0xFFFF;
	s2 =	simm.s32 @!p0 $0x1C05  }
0x7b: {  	[timem:s3], [sflag:s2] =	dma.local @!p0 [hbm:s0], s1  }
0x7c: {  	s0 =	simm.s32 @!p0 $0x5  }
0x7d: {  	_ =	swait.ge @!p0 [sflag:s0], s1  }
0x7e: {  	s1 =	ssub.s32 @!p0 $0x0, s1;
	[sflag:s0] =	ssyncset.done @!p0 $0x0  }
0x7f: {  	[sflag:s0] =	ssyncadd.s32 @!p0 s1  }
0x80: {  	[bflag:$0x3] =	sbarrier.arrive $0xFFFF  }
0x81: {  	_ =	shalt  }

</sc_bundles>
